<compile_context>
chip_gen: v7x
topology: tpu7x:2x2x1
jax: 0.10.2.dev20260603
libtpu: 0.0.44.dev20260713+nightly
codegen_flags: <defaults>
</compile_context>

<pallas_src>
import functools
import math

import jax
import jax.numpy as jnp
from jax import lax
from jax.experimental import pallas as pl
from jax.experimental.pallas import tpu as pltpu
from jax.experimental.pallas import tpu_sc as plsc

_C2 = 2.0 * math.sqrt(2.0 / math.pi)
_A2 = _C2 * 0.044715
_N = 2 * 4096 * 4096
_NC = 2
_NS = 16
_NW = _NC * _NS
_PER_W = _N // _NW
_CH = 16384
_NCHUNK = _PER_W // _CH

_mesh = plsc.VectorSubcoreMesh(core_axis_name="c", subcore_axis_name="s")


@functools.partial(
    pl.kernel,
    mesh=_mesh,
    out_type=jax.ShapeDtypeStruct((_N,), jnp.float32),
    scratch_types=[pltpu.VMEM((_CH,), jnp.float32)],
)
def _sc_gelu(x_hbm, o_hbm, buf):
    wid = lax.axis_index("s") * _NC + lax.axis_index("c")
    base = wid * _PER_W

    def chunk_body(ci, _):
        off = base + ci * _CH
        pltpu.sync_copy(x_hbm.at[pl.ds(off, _CH)], buf)

        def inner(j, _):
            v = buf[pl.ds(j * 16, 16)]
            u = v * v
            z2 = v * (_C2 + _A2 * u)
            e = jnp.exp(-z2)
            buf[pl.ds(j * 16, 16)] = v / (1.0 + e)
            return 0

        lax.fori_loop(0, _CH // 16, inner, 0)
        pltpu.sync_copy(buf, o_hbm.at[pl.ds(off, _CH)])
        return 0

    lax.fori_loop(0, _NCHUNK, chunk_body, 0)


def kernel(x, log_k_blend):
    del log_k_blend
    out = _sc_gelu(x.reshape(_N))
    return out.reshape(x.shape)

# --- scband reference (transcript-rebuilt; emitter-appended) ---
"""Pipeline reference for scband-gelu260-23648089932098 (READ-ONLY COPY).

The authoritative reference and input builder live on the scoring server;
editing this copy changes nothing except your own understanding.
"""

import jax, jax.numpy as jnp
import numpy as np
import math


def setup_inputs(seed: int = 0) -> dict:
    key = jax.random.key(seed)
    x = jax.random.normal(key, (2, 4096, 4096), dtype=jnp.float32)
    # learned parameter per __init__: log_k_blend = log(1.0)
    log_k_blend = jnp.asarray(math.log(1.0), dtype=jnp.float32)
    return {"x": x, "log_k_blend": log_k_blend}


def reference(x, log_k_blend):
    # Faithful trace of GELU260.forward on the FIRST call with fresh state
    # (buffers are None -> initialized, pass-1 not complete, mask empty):
    # the module writes y_mean into slot 0 of its KV buffers (a stateful
    # side-effect with no influence on the returned tensor) and returns
    # the tanh-approximation GELU of x.
    k_blend = jnp.clip(jnp.exp(log_k_blend), 0.1, 5.0)  # computed as in torch; unused on first-call path
    c = math.sqrt(2.0 / math.pi)
    y = 0.5 * x * (1.0 + jnp.tanh(c * (x + 0.044715 * jnp.power(x, 3))))
    # side-effect state (not returned, matches torch which returns only y):
    y_mean = jnp.mean(jnp.reshape(y, (-1, y.shape[-1])), axis=0)
    _ = y_mean  # buffer write buf[0] = normalize(y_mean); vbuf[0] = y_mean
    return y

if __name__ == "__main__":
    import jax
    _d = setup_inputs()
    print(jax.jit(kernel)(*tuple(_d.values())))

</pallas_src>

<mosaic_0001>
#map = affine_map<(d0, d1) -> (0)>
module attributes {stable_mosaic.version = 14 : i64} {
  func.func @_sc_gelu(%arg0: i32, %arg1: i32, %arg2: memref<33554432xf32, #tpu.memory_space<hbm>>, %arg3: memref<33554432xf32, #tpu.memory_space<hbm>>, %arg4: memref<16384xf32, #tpu.memory_space<vmem>>) attributes {dimension_semantics = [#tpu.dimension_semantics<core_parallel>, #tpu.dimension_semantics<subcore_parallel>], iteration_bounds = array<i64: 2, 16>, scalar_prefetch = 0 : i64, scratch_operands = 1 : i64, tpu.core_type = #tpu.core_type<sc_vector_subcore>, window_params = [{transform_indices = #map}, {transform_indices = #map}]} {
    %mul3A = arith.constant 2 : i32
    %mul3A_0 = arith.muli %arg1, %mul3A : i32
    %add3A = arith.addi %mul3A_0, %arg0 : i32
    %mul3A_1 = arith.constant 1048576 : i32
    %mul3A_2 = arith.muli %add3A, %mul3A_1 : i32
    %scan3A = arith.constant 0 : i32
    %scan3A_3 = arith.constant 0 : i32
    %scan3A_4 = arith.constant 64 : i32
    %scan3A_5 = arith.addi %scan3A_3, %scan3A_4 : i32
    %scan3A_6 = arith.constant 1 : i32
    %scan3A_7 = scf.for %scan3A_9 = %scan3A_3 to %scan3A_5 step %scan3A_6 iter_args(%scan3A_10 = %scan3A) -> (i32)  : i32 {
      %mul3A_11 = arith.constant 16384 : i32
      %mul3A_12 = arith.muli %scan3A_9, %mul3A_11 : i32
      %add3A_13 = arith.addi %mul3A_2, %mul3A_12 : i32
      "tpu.region"() ({
        %run_scoped3A = tpu.sem_alloc : memref<!tpu.dma_semaphore, #tpu.memory_space<semaphore_mem>>
        %dma_start3A = tpu.memref_slice %arg2[%add3A_13] : memref<33554432xf32, #tpu.memory_space<hbm>> -> memref<16384xf32, #tpu.memory_space<hbm>>
        %dma_start3A_22 = tpu.memref_slice %arg2[%add3A_13] : memref<33554432xf32, #tpu.memory_space<hbm>> -> memref<16384xf32, #tpu.memory_space<hbm>>
        tpu.enqueue_dma source(%dma_start3A_22 : memref<16384xf32, #tpu.memory_space<hbm>>) target(%arg4 : memref<16384xf32, #tpu.memory_space<vmem>>) target_semaphore(%run_scoped3A : memref<!tpu.dma_semaphore, #tpu.memory_space<semaphore_mem>>)
        %dma_wait3A = tpu.memref_slice %arg2[%add3A_13] : memref<33554432xf32, #tpu.memory_space<hbm>> -> memref<16384xf32, #tpu.memory_space<hbm>>
        %dma_wait3A_23 = tpu.memref_slice %arg2[%add3A_13] : memref<33554432xf32, #tpu.memory_space<hbm>> -> memref<16384xf32, #tpu.memory_space<hbm>>
        tpu.wait_dma2 semaphore(%run_scoped3A : memref<!tpu.dma_semaphore, #tpu.memory_space<semaphore_mem>>) src(%dma_wait3A_23 : memref<16384xf32, #tpu.memory_space<hbm>>) dst(%arg4 : memref<16384xf32, #tpu.memory_space<vmem>>)
        tpu.yield
      }) : () -> ()
      %scan3A_14 = arith.constant 0 : i32
      %scan3A_15 = arith.constant 0 : i32
      %scan3A_16 = arith.constant 1024 : i32
      %scan3A_17 = arith.addi %scan3A_15, %scan3A_16 : i32
      %scan3A_18 = arith.constant 1 : i32
      %scan3A_19 = scf.for %scan3A_22 = %scan3A_15 to %scan3A_17 step %scan3A_18 iter_args(%scan3A_23 = %scan3A_14) -> (i32)  : i32 {
        %mul3A_24 = arith.constant 16 : i32
        %mul3A_25 = arith.muli %scan3A_22, %mul3A_24 : i32
        %get3A = arith.index_cast %mul3A_25 : i32 to index
        %get3A_26 = tpu.vector_load %arg4[%get3A] {strides = array<i32>} : memref<16384xf32, #tpu.memory_space<vmem>>, vector<16xf32>,
        %get3A_27 = vector.shape_cast %get3A_26 : vector<16xf32> to vector<16xf32>
        %mul3A_28 = arith.mulf %get3A_27, %get3A_27 : vector<16xf32>
        %mul3A_29 = arith.constant 0.0713548139 : f32
        %mul3A_30 = vector.broadcast %mul3A_29 : f32 to vector<16xf32>
        %mul3A_31 = arith.mulf %mul3A_30, %mul3A_28 : vector<16xf32>
        %add3A_32 = arith.constant 1.59576917 : f32
        %add3A_33 = vector.broadcast %add3A_32 : f32 to vector<16xf32>
        %add3A_34 = arith.addf %add3A_33, %mul3A_31 : vector<16xf32>
        %mul3A_35 = arith.mulf %get3A_27, %add3A_34 : vector<16xf32>
        %neg3A = arith.constant 0.000000e+00 : f32
        %neg3A_36 = vector.broadcast %neg3A : f32 to vector<16xf32>
        %neg3A_37 = arith.subf %neg3A_36, %mul3A_35 : vector<16xf32>
        %exp3A = math.exp %neg3A_37 : vector<16xf32>
        %add3A_38 = arith.constant 1.000000e+00 : f32
        %add3A_39 = vector.broadcast %add3A_38 : f32 to vector<16xf32>
        %add3A_40 = arith.addf %add3A_39, %exp3A : vector<16xf32>
        %div3A = arith.divf %get3A_27, %add3A_40 : vector<16xf32>
        %mul3A_41 = arith.constant 16 : i32
        %mul3A_42 = arith.muli %scan3A_22, %mul3A_41 : i32
        %swap3A = arith.index_cast %mul3A_42 : i32 to index
        %swap3A_43 = tpu.vector_load %arg4[%swap3A] {strides = array<i32>} : memref<16384xf32, #tpu.memory_space<vmem>>, vector<16xf32>,
        %swap3A_44 = vector.shape_cast %swap3A_43 : vector<16xf32> to vector<16xf32>
        %swap3A_45 = vector.shape_cast %div3A : vector<16xf32> to vector<16xf32>
        tpu.vector_store %arg4[%swap3A], %swap3A_45 {strides = array<i32>} : memref<16384xf32, #tpu.memory_space<vmem>>, vector<16xf32>,
        %scan3A_46 = arith.constant 0 : i32
        scf.yield %scan3A_46 : i32
      }
      %scan3A_20 = arith.constant 1024 : i32
      "tpu.region"() ({
        %run_scoped3A = tpu.sem_alloc : memref<!tpu.dma_semaphore, #tpu.memory_space<semaphore_mem>>
        %dma_start3A = tpu.memref_slice %arg3[%add3A_13] : memref<33554432xf32, #tpu.memory_space<hbm>> -> memref<16384xf32, #tpu.memory_space<hbm>>
        %dma_start3A_22 = tpu.memref_slice %arg3[%add3A_13] : memref<33554432xf32, #tpu.memory_space<hbm>> -> memref<16384xf32, #tpu.memory_space<hbm>>
        tpu.enqueue_dma source(%arg4 : memref<16384xf32, #tpu.memory_space<vmem>>) target(%dma_start3A_22 : memref<16384xf32, #tpu.memory_space<hbm>>) target_semaphore(%run_scoped3A : memref<!tpu.dma_semaphore, #tpu.memory_space<semaphore_mem>>)
        %dma_wait3A = tpu.memref_slice %arg3[%add3A_13] : memref<33554432xf32, #tpu.memory_space<hbm>> -> memref<16384xf32, #tpu.memory_space<hbm>>
        %dma_wait3A_23 = tpu.memref_slice %arg3[%add3A_13] : memref<33554432xf32, #tpu.memory_space<hbm>> -> memref<16384xf32, #tpu.memory_space<hbm>>
        tpu.wait_dma2 semaphore(%run_scoped3A : memref<!tpu.dma_semaphore, #tpu.memory_space<semaphore_mem>>) src(%arg4 : memref<16384xf32, #tpu.memory_space<vmem>>) dst(%dma_wait3A_23 : memref<16384xf32, #tpu.memory_space<hbm>>)
        tpu.yield
      }) : () -> ()
      %scan3A_21 = arith.constant 0 : i32
      scf.yield %scan3A_21 : i32
    }
    %scan3A_8 = arith.constant 64 : i32
    return
  }
}

</mosaic_0001>

<sc_bundles>
// kernel: kernel.3.cloned.1.call-start
scs
__scs_entry_jumppad:
0x0: {  	(pc) =	sbr.rel $0x88, $3  }
0x1: {  	(tag) =	ssettag $0x0;
	lr =	simm.s32 $0x1  }
0x2: {  	[smem:$0x3FA0] =	sst lr;
	_ =	strace $0xD0000000  }
0x3: {  	_ = 	snop  }
0x4: {  	_ = 	snop  }
0x5: {  	_ = 	snop  }
0x6: {  	_ = 	snop  }
0x7: {  	_ = 	snop  }
__scs_overlays_trampoline_lowered:
0x8: {  	[smem:$0x3FAF] =	sst s0  }
0x9: {  	[smem:$0x3FB0] =	sst s1  }
0xa: {  	[smem:$0x3FB1] =	sst s2  }
0xb: {  	[smem:$0x3FB2] =	sst s3  }
0xc: {  	[smem:$0x3FB3] =	sst s4  }
0xd: {  	[smem:$0x3FB4] =	sst s5  }
0xe: {  	[smem:$0x3FB5] =	sst s6  }
0xf: {  	[smem:$0x3FB6] =	sst s7  }
0x10: {  	[smem:$0x3FB7] =	sst s8  }
0x11: {  	[smem:$0x3FB8] =	sst s9;
	s0 =	simm.s32 @!p0 $0x0  }
0x12: {  	s1 =	sld [smem:$0x3F9E];
	s0 =	simm.s32 @p0 $0x1  }
0x13: {  	[smem:$0x3FB9] =	sst s0;
	s0 =	simm.s32 @!p1 $0x0  }
0x14: {  	s2 =	sld [smem:$0x3F9D];
	s0 =	simm.s32 @p1 $0x1  }
0x15: {  	[smem:$0x3FBA] =	sst s0;
	s0 =	simm.s32 @!p2 $0x0  }
0x16: {  	s3 =	sld [smem:$0x3FDB];
	s0 =	simm.s32 @p2 $0x1  }
0x17: {  	s4 =	simm.s32 $0x1BF5;
	[smem:$0x3FBC] =	sst s0  }
0x18: {  	s0 =	sld [smem:$0x3F9F];
	_ =	swait.ge [sflag:s4], $0x0  }
0x19: {  	s7 =	sld [smem:$0x3FA0]  }
0x1a: {  	s8 =	sadd.s32 $0xFFFFE003, lr  }
0x1b: {  	s9 =	sadd.s32 $0xFFFFFEF7, lr;
	s5 =	simm.s32 $0xFFFFFFFF;
	p2 =	slt.u32 s8, $0xFFFFF086  }
0x1c: {  	p1 =	slt.u32 s9, $0xF7A;
	s5 =	simm.s32 @!p2 $0x0  }
0x1d: {  	s5 =	simm.s32 @p1 $0x1;
	p0 =	seq.s32 s7, s2  }
0x1e: {  	s7 =	smul.u32 @!p0 $0xF7A, s2;
	p2 =	seq.s32 @!p0 s5, $0x0  }
0x1f: {  	s9 =	smul.u32 $0xF7A, s1;
	s8 =	simm.s32 @!p0 $0x1BF5;
	p2 =	por !p2, p0  }
0x20: {  	[sflag:s8] =	ssyncset.s32 @!p0 $0xFFFFF086;
	s6 =	sadd.s32 @!p0 s3, s7;
	s7 =	simm.s32 @!p0 $0x108  }
0x21: {  	s3 =	sadd.s32 s3, s9;
	s6 =	sadd.s32 @!p0 $0x88, s6;
	s7 =	simm.s32 @p2 $0x1082  }
0x22: {  	[simem:s7], [sflag:s8] =	dma.local @!p0 [hbm:s6], $0xF7A  }
0x23: {  	s9 =	sor.u32 $0xD0000000, s2;
	s6 =	simm.s32 $0x108;
	_ =	swait.ge @!p0 [sflag:s8], $0x0  }
0x24: {  	s3 =	sadd.s32 $0x88, s3;
	s6 =	simm.s32 @!p1 $0x1082;
	[sflag:s4] =	ssyncset.s32 $0xFFFFF086  }
0x25: {  	[simem:s6], [sflag:s4] =	dma.local [hbm:s3], $0xF7A  }
0x26: {  	[smem:$0x3FA0] =	sst s1;
	(tag) =	ssettag s2;
	_ =	strace s9  }
0x27: {  	s1 =	sld [smem:$0x3FB0]  }
0x28: {  	s2 =	sld [smem:$0x3FB1]  }
0x29: {  	s4 =	sld [smem:$0x3FB3]  }
0x2a: {  	p0 =	seq.s32 s5, $0x0;
	s5 =	sld [smem:$0x3FB4]  }
0x2b: {  	s6 =	sld [smem:$0x3FB5]  }
0x2c: {  	s7 =	sld [smem:$0x3FB6]  }
0x2d: {  	s3 =	simm.s32 $0x108;
	s8 =	sld [smem:$0x3FB7]  }
0x2e: {  	s3 =	simm.s32 @!p0 $0x1082;
	s9 =	sld [smem:$0x3FB8]  }
0x2f: {  	lr =	sadd.s32 s0, s3;
	s0 =	sld [smem:$0x3FAF]  }
0x30: {  	s3 =	sld [smem:$0x3FB2]  }
0x31: {  	[smem:$0x3FBB] =	sst s10  }
0x32: {  	s10 =	sld [smem:$0x3FB9];
	_ =	sdelay $0x3  }
0x33: {  	p0 =	seq.s32 s10, $0x1;
	s10 =	sld [smem:$0x3FBB];
	_ =	sdelay $0x3  }
0x34: {  	[smem:$0x3FBB] =	sst s10  }
0x35: {  	s10 =	sld [smem:$0x3FBA];
	_ =	sdelay $0x3  }
0x36: {  	p1 =	seq.s32 s10, $0x1;
	s10 =	sld [smem:$0x3FBB];
	_ =	sdelay $0x3  }
0x37: {  	[smem:$0x3FBB] =	sst s10  }
0x38: {  	s10 =	sld [smem:$0x3FBC]  }
0x39: {  	_ = 	snop;
	(pc) =	sbr.ind lr, $3  }
0x3a: {  	_ = 	snop  }
0x3b: {  	_ = 	snop  }
0x3c: {  	p2 =	seq.s32 s10, $0x1;
	s10 =	sld [smem:$0x3FBB]  }
0x3d: {  	_ =	shalt  }
0x3e: {  	_ =	shalt  }
0x3f: {  	_ =	shalt  }
0x40: {  	_ =	shalt  }
0x41: {  	_ =	shalt  }
0x42: {  	_ =	shalt  }
0x43: {  	_ =	shalt  }
0x44: {  	_ =	shalt  }
0x45: {  	_ =	shalt  }
0x46: {  	_ =	shalt  }
0x47: {  	_ =	shalt  }
0x48: {  	_ =	shalt  }
0x49: {  	_ =	shalt  }
0x4a: {  	_ =	shalt  }
0x4b: {  	_ =	shalt  }
0x4c: {  	_ =	shalt  }
0x4d: {  	_ =	shalt  }
0x4e: {  	_ =	shalt  }
0x4f: {  	_ =	shalt  }
0x50: {  	_ =	shalt  }
0x51: {  	_ =	shalt  }
0x52: {  	_ =	shalt  }
0x53: {  	_ =	shalt  }
0x54: {  	_ =	shalt  }
0x55: {  	_ =	shalt  }
0x56: {  	_ =	shalt  }
0x57: {  	_ =	shalt  }
0x58: {  	_ =	shalt  }
0x59: {  	_ =	shalt  }
0x5a: {  	_ =	shalt  }
0x5b: {  	_ =	shalt  }
0x5c: {  	_ =	shalt  }
0x5d: {  	_ =	shalt  }
0x5e: {  	_ =	shalt  }
0x5f: {  	_ =	shalt  }
0x60: {  	_ =	shalt  }
0x61: {  	_ =	shalt  }
0x62: {  	_ =	shalt  }
0x63: {  	_ =	shalt  }
0x64: {  	_ =	shalt  }
0x65: {  	_ =	shalt  }
0x66: {  	_ =	shalt  }
0x67: {  	_ =	shalt  }
0x68: {  	_ =	shalt  }
0x69: {  	_ =	shalt  }
0x6a: {  	_ =	shalt  }
0x6b: {  	_ =	shalt  }
0x6c: {  	_ =	shalt  }
0x6d: {  	_ =	shalt  }
0x6e: {  	_ =	shalt  }
0x6f: {  	_ =	shalt  }
0x70: {  	_ =	shalt  }
0x71: {  	_ =	shalt  }
0x72: {  	_ =	shalt  }
0x73: {  	_ =	shalt  }
0x74: {  	_ =	shalt  }
0x75: {  	_ =	shalt  }
0x76: {  	_ =	shalt  }
0x77: {  	_ =	shalt  }
0x78: {  	_ =	shalt  }
0x79: {  	_ =	shalt  }
0x7a: {  	_ =	shalt  }
0x7b: {  	_ =	shalt  }
0x7c: {  	_ =	shalt  }
0x7d: {  	_ =	shalt  }
0x7e: {  	_ =	shalt  }
0x7f: {  	_ =	shalt  }
0x80: {  	_ =	shalt  }
0x81: {  	_ =	shalt  }
0x82: {  	_ =	shalt  }
0x83: {  	_ =	shalt  }
0x84: {  	_ =	shalt  }
0x85: {  	_ =	shalt  }
0x86: {  	_ =	shalt  }
0x87: {  	_ =	shalt  }
.Lfunc_end0:
.L_simem_size_0:
called_computation.1_lowered:
.L_overlay_start_0:
0x88: {  	s2 =	sld [smem:$0x3FD9]  }
0x89: {  	s3 =	sld [smem:$0x3FFE];
	_ =	sdelay $0x1  }
0x8a: {  	s1 =	srdreg.scid  }
0x8b: {  	s0 =	sand.u32 $0x1, s1  }
0x8c: {  	s17 =	sshll.u32 s0, $0xA;
	s2 =	sadd.s32 s3, s2  }
0x8d: {  	s2 =	sadd.s32 s2, s17  }
0x8e: {  	[smem:$0x3FC7] =	sst s2  }
0x8f: {  	_ = 	snop  }
0x90: {  	s2 =	sld [smem:$0x3FD0];
	(tm) =	ssettm $0x1  }
0x91: {  	s18 =	sld [smem:$0x3FFB];
	_ =	sdelay $0x3  }
0x92: {  	_ =	strace s18  }
0x93: {  	s3 =	sld [smem:$0x3FFC];
	_ =	sdelay $0x3  }
0x94: {  	_ =	strace s3  }
0x95: {  	s3 =	sld [smem:$0x3FFD];
	_ =	sdelay $0x3  }
0x96: {  	_ =	strace s3  }
0x97: {  	_ =	strace $0x8FFFFFFF  }
0x98: {  	s19 =	sld [smem:$0x3FDB];
	_ =	sdelay $0x1  }
0x99: {  	s4 =	simm.s32 $_scs_section_size  }
0x9a: {  	s5 =	simm.s32 $_size__tile_overlayer_lowered;
	s6 =	simm.s32 $_tile_overlayer_lowered  }
0x9b: {  	s22 =	simm.s32 $0x1BFF;
	s21 =	sshll.u32 s6, $0x1;
	s3 =	sadd.s32 s4, s19  }
0x9c: {  	s7 =	simm.s32 $0x0;
	s20 =	sshll.u32 s5, $0x1;
	s5 =	sadd.s32 s21, s3  }
0x9d: {  	[timem:s7], [sflag:s22] =	dma.local [hbm:s5], s20  }
0x9e: {  	_ =	swait.ge [sflag:s22], s20  }
0x9f: {  	s4 =	ssub.s32 $0x0, s20;
	[sflag:s22] =	ssyncset.done $0x0  }
0xa0: {  	[sflag:s22] =	ssyncadd.s32 s4;
	_ =	sdelay $0x1  }
0xa1: {  	s23 =	simm.s32 $0x1B8B  }
0xa2: {  	_ =	swait.ge [sflag:s23], $0x1  }
0xa3: {  	[sflag:s23] =	ssyncset.done $0x0  }
0xa4: {  	s25 =	simm.s32 $0x1B8E;
	s24 =	sld [smem:$0x3FFE];
	[sflag:s23] =	ssyncadd.s32 $0xFFFFFFFF  }
0xa5: {  	s26 =	simm.s32 $execute0_lowered;
	[smem:$0x3FD2] =	sst s25  }
0xa6: {  	s5 =	sshll.u32 s26, $0x1;
	_ =	strace $0x80000049;
	[dreg:$0x1] =	wrdreg $0xFFFFFFFF  }
0xa7: {  	s28 =	simm.s32 $_size_execute0_lowered;
	s3 =	sadd.s32 s3, s5;
	[dreg:$0x0] =	wrdreg $0x0  }
0xa8: {  	s5 =	sshll.u32 s28, $0x1;
	[dreg:$0x2] =	wrdreg s3  }
0xa9: {  	[dreg:$0x3] =	wrdreg s5  }
0xaa: {  	[dreg:$0x4] =	wrdreg $0xC0  }
0xab: {  	_ =	task [dreg:s7], $0x5FFFF  }
0xac: {  	[dreg:$0x1] =	wrdreg $0xFFFFFFFF  }
0xad: {  	[dreg:$0x0] =	wrdreg $0x60  }
0xae: {  	[dreg:$0x2] =	wrdreg s2  }
0xaf: {  	[dreg:$0x3] =	wrdreg s24  }
0xb0: {  	[dreg:$0x4] =	wrdreg $0x9  }
0xb1: {  	_ =	task.clear_ibuf [dreg:s7], $0x5FFFF;
	_ =	strace $0x90000049  }
0xb2: {  	s29 =	simm.s32 $0x9;
	_ =	strace $0x8000004B  }
0xb3: {  	_ =	swait.ge [sflag:s29], $0x1  }
0xb4: {  	[sflag:s29] =	ssyncadd.s32 $0xFFFFFFFF  }
0xb5: {  	_ =	strace $0x9000004B  }
0xb6: {  	_ =	sfence  }
0xb7: {  	s30 =	sld [smem:$0x0];
	_ =	sdelay $0x2  }
0xb8: {  	s31 =	sshll.u32 s1, $0xD;
	s1 =	sshrl.u32 s1, $0x2  }
0xb9: {  	s3 =	sand.u32 $0x4000, s31;
	s1 =	sadd.s32 s1, s30  }
0xba: {  	s0 =	sor.u32 s3, s0;
	s1 =	sshll.u32 s1, $0x11  }
0xbb: {  	s0 =	sor.u32 s1, s0  }
0xbc: {  	s0 =	sadd.s32 $0x8F2B, s0  }
0xbd: {  	[sflag:s0] =	ssyncadd.remote.s32 $0x1  }
0xbe: {  	_ =	sfence.sel $0xFFFF  }
0xbf: {  	[dreg:$0x0] =	wrdreg $0xFFFFFFFF;
	(pc) =	sbr.abs _section_cstart, $3  }
0xc0: {  	[dreg:$0x1] =	wrdreg $0xFFFFFFFF  }
0xc1: {  	_ =	task.clear_ibuf [dreg:s7], $0x2FFFF;
	_ =	strace $0x9FFFFFFF  }
0xc2: {  	(tm) =	ssettm $0x7FFFFFFF  }
0xc3: {  	_ =	shalt  }
tec
execute0_lowered:
.L_overlay_start_1:
0x0: {  	(tag) =	ssettag $0x1  }
0x1: {  	s1 =	rddreg [dreg:$0x0]  }
0x2: {  	s4 =	rddreg [dreg:$0x1]  }
0x3: {  	s0 =	rddreg [dreg:$0x2];
	s2 =	simm.s32 $0x0;
	s3 =	srdreg.scid  }
0x4: {  	[smem:$0x7FF] =	sst s2;
	s5 =	sand.u32 $0x1, s3  }
0x5: {  	s3 =	stileid.u32;
	s4 =	sadd.s32 $0x800, s4;
	s6 =	ssub.s32 $0x2, s5  }
0x6: {  	s8 =	sshll.u32 s3, $0x12;
	s5 =	sshll.u32 s5, $0x11;
	s7 =	sshrl.u32 s6, $0x1  }
0x7: {  	_ =	strace $0x8000004A;
	s5 =	sor.u32 s5, s8;
	s6 =	ssub.s32 s6, s7  }
0x8: {  	s8 =	simm.s32 $0x0;
	s7 =	simm.s32 $0x1;
	s6 =	smax.u32 s6, $0x1  }
.LBB2_1:
0x9: {  	s9 =	simm.s32 $0x0  }
.LBB2_2:
0xa: {  	s10 =	sshll.u32 s9, $0xB  }
0xb: {  	s10 =	sadd.s32 s5, s10  }
0xc: {  	s12 =	simm.s32 $0x0;
	s11 =	sadd.s32 s1, s10  }
0xd: {  	[tilespmem:s12], [sflag:$0x1] =	stream.linear.gather [hbm4b:s11+s12], $0x4000, $0x38;
	[tilespmem:$0x4000] =	vst v63  }
0xe: {  	_ =	swait.ge [sflag:s7], $0x4000  }
0xf: {  	[sflag:s7] =	ssyncset.done $0x0  }
0x10: {  	s11 =	simm.s32 $0x0;
	s12 =	simm.s32 $0x40;
	[sflag:s7] =	ssyncadd.s32 $0xFFFFC000  }
.LBB2_3:
0x11: {  	p0 =	sne.s32 s12, $0xFFC0;
	v0 =	vld [tilespmem:s11+$0x0];
	_ =	sdelay $0x4  }
0x12: {  	v1 =	vmul.f32 v0, v0;
	_ =	sdelay $0x1  }
0x13: {  	v1 =	vmul.f32 $7.135481390e-02, v1;
	_ =	sdelay $0x1  }
0x14: {  	v1 =	vadd.f32 $1.595769170e+00, v1;
	_ =	sdelay $0x1  }
0x15: {  	v1 =	vmul.f32 v1, v0;
	_ =	sdelay $0x1  }
0x16: {  	v1 =	vsub.f32 $0.0e+00, v1;
	_ =	sdelay $0x1  }
0x17: {  	v1 =	vmul.f32 $1.442695020e+00, v1;
	_ =	sdelay $0x1  }
0x18: {  	(erf) = vpow2.f32 v1;
	_ =	sdelay $0x8  }
0x19: {  	v1 =	vpop (erf)  }
0x1a: {  	v1 =	vadd.f32 $1.000000000e+00, v1;
	_ =	sdelay $0x1  }
0x1b: {  	(erf) = vrcp.f32 v1;
	_ =	sdelay $0x7  }
.Ltmp0:
0x1c: {  	(pc) =	sbr.rel @p0 .LBB2_3-.Ltmp0, $3  }
0x1d: {  	v1 =	vpop (erf)  }
0x1e: {  	v0 =	vmul.f32 v1, v0;
	_ =	sdelay $0x1  }
0x1f: {  	[tilespmem:s11+$0x0] =	vst v0;
	s11 =	sshra.s32 s12, $0x2;
	s12 =	sadd.s32 $0x40, s12  }
0x20: {  	v0 =	vld [tilespmem:s11+$0x0];
	_ =	sdelay $0x4  }
0x21: {  	v1 =	vmul.f32 v0, v0;
	_ =	sdelay $0x1  }
0x22: {  	v1 =	vmul.f32 $7.135481390e-02, v1;
	_ =	sdelay $0x1  }
0x23: {  	v1 =	vadd.f32 $1.595769170e+00, v1;
	_ =	sdelay $0x1  }
0x24: {  	v1 =	vmul.f32 v1, v0;
	_ =	sdelay $0x1  }
0x25: {  	v1 =	vsub.f32 $0.0e+00, v1;
	_ =	sdelay $0x1  }
0x26: {  	v1 =	vmul.f32 $1.442695020e+00, v1;
	_ =	sdelay $0x1  }
0x27: {  	(erf) = vpow2.f32 v1;
	_ =	sdelay $0x8  }
0x28: {  	v1 =	vpop (erf)  }
0x29: {  	v1 =	vadd.f32 $1.000000000e+00, v1;
	_ =	sdelay $0x1  }
0x2a: {  	(erf) = vrcp.f32 v1;
	_ =	sdelay $0x8  }
0x2b: {  	v1 =	vpop (erf)  }
0x2c: {  	s9 =	sadd.s32 $0x1, s9;
	v0 =	vmul.f32 v1, v0  }
0x2d: {  	p0 =	sne.s32 s9, $0x40  }
.Ltmp1:
0x2e: {  	s10 =	sadd.s32 s4, s10;
	[tilespmem:s11+$0x0] =	vst v0;
	(pc) =	sbr.rel @p0 .LBB2_2-.Ltmp1, $4  }
0x2f: {  	[hbm4b:s10+s2] =	stream.linear.scatter [tilespmem:s2], [sflag:$0x1], $0x4000, $0x38;
	[tilespmem:$0x4000] =	vst v63  }
0x30: {  	_ =	swait.ge [sflag:s7], $0x4000  }
0x31: {  	[sflag:s7] =	ssyncset.done $0x0  }
0x32: {  	[sflag:s7] =	ssyncadd.s32 $0xFFFFC000  }
0x33: {  	s8 =	sadd.s32 $0x1, s8  }
0x34: {  	p0 =	sne.s32 s8, s6  }
.Ltmp2:
0x35: {  	_ = 	snop;
	(pc) =	sbr.rel @p0 .LBB2_1-.Ltmp2, $1  }
0x36: {  	_ =	sdelay $0x3  }
0x37: {  	_ =	sfence.sel $0x180000  }
0x38: {  	[bflag:$0x0] =	sbarrier.arrive $0xFFFF  }
0x39: {  	p0 =	sne.s32 s3, $0x0;
	_ =	strace $0x9000004A  }
0x3a: {  	s0 =	sadd.s32 @!p0 $0x100000, s0;
	[bflag:$0x2] =	sbarrier.arrive $0xFFFF  }
0x3b: {  	[sflag:s0] =	ssyncadd.tile.s32 @!p0 $0x1;
	_ =	shalt  }
.Lfunc_end2:
_tile_overlayer_lowered:
.L_overlay_start_2:
0x3c: {  	(tag) =	ssettag $0x2  }
0x3d: {  	s0 =	rddreg [dreg:$0x0];
	s2 =	stileid.u32  }
0x3e: {  	s1 =	rddreg [dreg:$0x1];
	p0 =	sne.s32 s2, $0x0  }
0x3f: {  	s3 =	rddreg [dreg:$0x2];
	[bflag:$0x3] =	sbarrier.arrive $0xFFFF;
	s2 =	simm.s32 @!p0 $0x1C01  }
0x40: {  	[timem:s3], [sflag:s2] =	dma.local @!p0 [hbm:s0], s1  }
0x41: {  	s0 =	simm.s32 @!p0 $0x1  }
0x42: {  	_ =	swait.ge @!p0 [sflag:s0], s1  }
0x43: {  	s1 =	ssub.s32 @!p0 $0x0, s1;
	[sflag:s0] =	ssyncset.done @!p0 $0x0  }
0x44: {  	[sflag:s0] =	ssyncadd.s32 @!p0 s1  }
0x45: {  	[bflag:$0x3] =	sbarrier.arrive $0xFFFF  }
0x46: {  	_ =	shalt  }

// kernel: sparse-core-data-format-call.cloned.1.call-start
scs
called_computation_lowered:
.L_overlay_start_0:
0x0: {  	s2 =	sld [smem:$0x3FD9]  }
0x1: {  	s3 =	sld [smem:$0x3FFE];
	_ =	sdelay $0x1  }
0x2: {  	s1 =	srdreg.scid  }
0x3: {  	s0 =	sand.u32 $0x1, s1  }
0x4: {  	s19 =	sshll.u32 s0, $0xA;
	s2 =	sadd.s32 s3, s2  }
0x5: {  	s2 =	sadd.s32 s2, s19  }
0x6: {  	[smem:$0x3FC7] =	sst s2  }
0x7: {  	_ = 	snop  }
0x8: {  	s2 =	sld [smem:$0x3FC9]  }
0x9: {  	s20 =	sld [smem:$0x3FD0];
	(tm) =	ssettm $0x1  }
0xa: {  	s4 =	sld [smem:$0x3FFB];
	_ =	sdelay $0x3  }
0xb: {  	_ =	strace s4  }
0xc: {  	s4 =	sld [smem:$0x3FFC];
	_ =	sdelay $0x3  }
0xd: {  	_ =	strace s4  }
0xe: {  	s4 =	sld [smem:$0x3FFD];
	_ =	sdelay $0x3  }
0xf: {  	_ =	strace s4  }
0x10: {  	_ =	strace $0x8FFFFFFF  }
0x11: {  	s21 =	sld [smem:$0x3FDB];
	_ =	sdelay $0x1  }
0x12: {  	s5 =	simm.s32 $_scs_section_size  }
0x13: {  	s6 =	simm.s32 $_size__tile_overlayer_lowered;
	s7 =	simm.s32 $_tile_overlayer_lowered  }
0x14: {  	s24 =	simm.s32 $0x1BFF;
	s23 =	sshll.u32 s7, $0x1;
	s4 =	sadd.s32 s5, s21  }
0x15: {  	s8 =	simm.s32 $0x0;
	s22 =	sshll.u32 s6, $0x1;
	s6 =	sadd.s32 s23, s4  }
0x16: {  	[timem:s8], [sflag:s24] =	dma.local [hbm:s6], s22  }
0x17: {  	_ =	swait.ge [sflag:s24], s22  }
0x18: {  	s5 =	ssub.s32 $0x0, s22;
	[sflag:s24] =	ssyncset.done $0x0  }
0x19: {  	[sflag:s24] =	ssyncadd.s32 s5;
	_ =	sdelay $0x1  }
0x1a: {  	s25 =	simm.s32 $0x1B8B  }
0x1b: {  	_ =	swait.ge [sflag:s25], $0x1  }
0x1c: {  	[sflag:s25] =	ssyncset.done $0x0  }
0x1d: {  	s26 =	simm.s32 $0x1B8E;
	[sflag:s25] =	ssyncadd.s32 $0xFFFFFFFF  }
0x1e: {  	s27 =	simm.s32 $execute0_lowered;
	[smem:$0x3FD2] =	sst s26  }
0x1f: {  	s5 =	sshll.u32 s27, $0x1;
	_ =	strace $0x80000046;
	[dreg:$0x1] =	wrdreg $0xFFFFFFFF  }
0x20: {  	s28 =	simm.s32 $_size_execute0_lowered;
	s4 =	sadd.s32 s4, s5;
	[dreg:$0x0] =	wrdreg $0x0  }
0x21: {  	s5 =	sshll.u32 s28, $0x1;
	[dreg:$0x2] =	wrdreg s4  }
0x22: {  	[dreg:$0x3] =	wrdreg s5  }
0x23: {  	[dreg:$0x4] =	wrdreg $0xC0  }
0x24: {  	_ =	task [dreg:s8], $0x5FFFF  }
0x25: {  	[dreg:$0x1] =	wrdreg $0xFFFFFFFF  }
0x26: {  	[dreg:$0x0] =	wrdreg $0x60  }
0x27: {  	[dreg:$0x2] =	wrdreg s2  }
0x28: {  	[dreg:$0x3] =	wrdreg s20  }
0x29: {  	[dreg:$0x4] =	wrdreg $0x9  }
0x2a: {  	_ =	task.clear_ibuf [dreg:s8], $0x5FFFF;
	_ =	strace $0x90000046  }
0x2b: {  	s29 =	simm.s32 $0x9;
	_ =	strace $0x80000048  }
0x2c: {  	_ =	swait.ge [sflag:s29], $0x1  }
0x2d: {  	[sflag:s29] =	ssyncadd.s32 $0xFFFFFFFF  }
0x2e: {  	_ =	strace $0x90000048  }
0x2f: {  	_ =	sfence  }
0x30: {  	s30 =	sld [smem:$0x0];
	_ =	sdelay $0x2  }
0x31: {  	s31 =	sshll.u32 s1, $0xD;
	s1 =	sshrl.u32 s1, $0x2  }
0x32: {  	s3 =	sand.u32 $0x4000, s31;
	s1 =	sadd.s32 s1, s30  }
0x33: {  	s0 =	sor.u32 s3, s0;
	s1 =	sshll.u32 s1, $0x11  }
0x34: {  	s0 =	sor.u32 s1, s0  }
0x35: {  	s0 =	sadd.s32 $0x8F2B, s0  }
0x36: {  	[sflag:s0] =	ssyncadd.remote.s32 $0x1  }
0x37: {  	_ =	sfence.sel $0xFFFF  }
0x38: {  	[dreg:$0x0] =	wrdreg $0xFFFFFFFF;
	(pc) =	sbr.abs _section_cstart, $3  }
0x39: {  	[dreg:$0x1] =	wrdreg $0xFFFFFFFF  }
0x3a: {  	_ =	task.clear_ibuf [dreg:s8], $0x2FFFF;
	_ =	strace $0x9FFFFFFF  }
0x3b: {  	(tm) =	ssettm $0x7FFFFFFF  }
tec
execute0_lowered:
.L_overlay_start_1:
0x0: {  	(tag) =	ssettag $0x1  }
0x1: {  	s2 =	rddreg [dreg:$0x0]  }
0x2: {  	s3 =	rddreg [dreg:$0x1]  }
0x3: {  	s0 =	rddreg [dreg:$0x2];
	_ =	strace $0x80000047  }
0x4: {  	s4 =	srdreg.scid;
	s1 =	stileid.u32;
	s6 =	simm.s32 $0x2  }
.Ltmp0:
0x5: {  	s11 =	simm.s32 $0x0;
	p0 =	por $0x0, $0x0;
	(pc) =	sbr.rel .LBB1_1-.Ltmp0, $4  }
0x6: {  	s7 =	simm.s32 $0x1000;
	s12 =	simm.s32 $0x0;
	s5 =	sshll.u32 s4, $0x4  }
0x7: {  	s9 =	simm.s32 $0x0;
	s4 =	simm.s32 $0x1;
	s5 =	sand.u32 $0x10, s5  }
0x8: {  	s8 =	simm.s32 $0x0;
	[sflag:s4] =	ssyncpa.u1 $0x0;
	s5 =	sor.u32 s1, s5  }
0x9: {  	[sflag:s6] =	ssyncpa.u1 $0x0;
	s6 =	simm.s32 $0x800;
	s10 =	smov.u32 s5  }
.LBB1_7:
0xa: {  	s13 =	sadd.s32 $0x10, s9  }
0xb: {  	s11 =	sadd.s32 $0x20, s10;
	s15 =	smov.u32 s10;
	p2 =	sgt.s32 s13, $0x1F  }
0xc: {  	p1 =	slt.u32 s8, $0x2;
	s15 =	smov.u32 @p2 s11  }
0xd: {  	s8 =	sadd.s32 $0x1, s8;
	s13 =	simm.s32 @p2 $0x0;
	p2 =	sgt.s32 s15, $0x3FF  }
0xe: {  	s15 =	smov.u32 @p2 s5;
	p2 =	sne.s32 s8, $0x42  }
.Ltmp1:
0xf: {  	_ = 	snop;
	(pc) =	sbr.rel @!p2 .LBB1_8-.Ltmp1, $4  }
0x10: {  	s14 =	simm.s32 @!p1 $0x2  }
0x11: {  	s12 =	smov.u32 s10;
	_ =	swait.ge @!p1 [sflag:s14], $0x4000  }
0x12: {  	p0 =	por !p0, !p0;
	s11 =	smov.u32 s9;
	[sflag:s14] =	ssyncset.done @!p1 $0x0  }
0x13: {  	s9 =	smov.u32 s13;
	[sflag:s14] =	ssyncadd.s32 @!p1 $0xFFFFC000;
	s10 =	smov.u32 s15  }
.LBB1_1:
0x14: {  	p1 =	sgt.u32 s8, $0x3F  }
0x15: {  	s13 =	sxor.u32 @!p1 $0xFFFFFFFF, s8;
	s14 =	sshll.u32 @!p1 s10, $0xC  }
0x16: {  	s15 =	sshll.u32 @!p1 s9, $0x7;
	s13 =	sshll.u32 @!p1 s13, $0xE;
	s14 =	sadd.s32 @!p1 s2, s14  }
0x17: {  	s13 =	sand.u32 @!p1 $0x4000, s13;
	s14 =	sadd.s32 @!p1 s15, s14;
	s15 =	simm.s32 @!p1 $0x0  }
0x18: {  	[tilespmem:s13], [sflag:$0x1] =	stream.linear.gather @!p1 [hbm4b:s14+s15], $0x4000, $0x38;
	[tilespmem:$0x10000] =	vst v63  }
0x19: {  	p1 =	seq.s32 s8, $0x0  }
0x1a: {  	p2 =	seq.s32 @!p1 s8, $0x41  }
0x1b: {  	p1 =	por p1, p2  }
.Ltmp2:
0x1c: {  	_ = 	snop;
	(pc) =	sbr.rel @p1 .LBB1_7-.Ltmp2, $1  }
0x1d: {  	_ =	sdelay $0x3  }
0x1e: {  	s13 =	simm.s32 $0x1;
	_ =	swait.ge [sflag:s4], $0x4000;
	s16 =	sshll.u32 s8, $0xE  }
0x1f: {  	s13 =	simm.s32 @!p0 $0x0;
	[sflag:s4] =	ssyncset.done $0x0;
	s31 =	sand.u32 $0x4000, s16  }
0x20: {  	s16 =	simm.s32 $0x0;
	s14 =	sshll.u32 s13, $0xE;
	[sflag:s4] =	ssyncadd.s32 $0xFFFFC000  }
0x21: {  	s13 =	sor.u32 $0x8040, s14;
	s15 =	sor.u32 $0x40, s14;
	s14 =	sor.u32 $0x8000, s31  }
.LBB1_3:
0x22: {  	v0 =	vmov s15;
	_ =	sdelay $0x3  }
0x23: {  	s18 =	simm.s32 $0x0  }
0x24: {  	v6 =	vld.idx.msk [tilespmem:v0+s18+$0x30 ss:$0x1], $0xffff  }
0x25: {  	v7 =	vld.idx.msk [tilespmem:v0+s18+$0xFFFFFFC0 ss:$0x1], $0xffff  }
0x26: {  	v5 =	vld.idx.msk [tilespmem:v0+s18+$0xFFFFFFD0 ss:$0x1], $0xffff  }
0x27: {  	v4 =	vld.idx.msk [tilespmem:v0+s18+$0xFFFFFFE0 ss:$0x1], $0xffff  }
0x28: {  	v3 =	vld.idx.msk [tilespmem:v0+s18+$0xFFFFFFF0 ss:$0x1], $0xffff  }
0x29: {  	v1 =	vld.idx.msk [tilespmem:v0+s18+$0x0 ss:$0x1], $0xffff  }
0x2a: {  	v2 =	vld.idx.msk [tilespmem:v0+s18+$0x10 ss:$0x1], $0xffff;
	[tilespmem:s13+$0x30] =	vst v6  }
0x2b: {  	s17 =	simm.s32 $0x80;
	s19 =	simm.s32 $0x400;
	[tilespmem:s13+$0xFFFFFFC0] =	vst v7;
	v6 =	vld.idx.msk [tilespmem:v0+s18+$0x20 ss:$0x1], $0xffff;
	s18 =	smov.u32 s13  }
.LBB1_4:
0x2c: {  	p1 =	sne.s32 s19, $0xE00;
	v7 =	vld.idx.msk [tilespmem:v0+s17+$0x30 ss:$0x1], $0xffff;
	[tilespmem:s18+$0xFFFFFFD0] =	vst v5  }
0x2d: {  	v8 =	vld.idx.msk [tilespmem:v0+s17+$0xFFFFFFC0 ss:$0x1], $0xffff;
	[tilespmem:s18+$0xFFFFFFE0] =	vst v4  }
0x2e: {  	v5 =	vld.idx.msk [tilespmem:v0+s17+$0xFFFFFFD0 ss:$0x1], $0xffff;
	[tilespmem:s18+$0xFFFFFFF0] =	vst v3  }
.Ltmp3:
0x2f: {  	v4 =	vld.idx.msk [tilespmem:v0+s17+$0xFFFFFFE0 ss:$0x1], $0xffff;
	[tilespmem:s18+$0x0] =	vst v1;
	(pc) =	sbr.rel @p1 .LBB1_4-.Ltmp3, $4  }
0x30: {  	v3 =	vld.idx.msk [tilespmem:v0+s17+$0xFFFFFFF0 ss:$0x1], $0xffff;
	[tilespmem:s18+$0x10] =	vst v2  }
0x31: {  	v1 =	vld.idx.msk [tilespmem:v0+s17+$0x0 ss:$0x1], $0xffff;
	[tilespmem:s18+$0x20] =	vst v6;
	s18 =	sadd.s32 $0x800, s18  }
0x32: {  	v2 =	vld.idx.msk [tilespmem:v0+s17+$0x10 ss:$0x1], $0xffff;
	[tilespmem:s18+$0x30] =	vst v7  }
0x33: {  	[tilespmem:s18+$0xFFFFFFC0] =	vst v8;
	v6 =	vld.idx.msk [tilespmem:v0+s17+$0x20 ss:$0x1], $0xffff;
	s17 =	sshra.s32 s19, $0x2;
	s19 =	sadd.s32 $0x200, s19  }
0x34: {  	_ =	sdelay $0x2  }
0x35: {  	[tilespmem:s18+$0xFFFFFFD0] =	vst v5  }
0x36: {  	v56 =	vld.idx.msk [tilespmem:v0+s17+$0x30 ss:$0x1], $0xffff;
	[tilespmem:s18+$0xFFFFFFE0] =	vst v4  }
0x37: {  	v57 =	vld.idx.msk [tilespmem:v0+s17+$0xFFFFFFC0 ss:$0x1], $0xffff;
	[tilespmem:s18+$0xFFFFFFF0] =	vst v3  }
0x38: {  	v58 =	vld.idx.msk [tilespmem:v0+s17+$0xFFFFFFD0 ss:$0x1], $0xffff;
	[tilespmem:s18+$0x0] =	vst v1  }
0x39: {  	v59 =	vld.idx.msk [tilespmem:v0+s17+$0xFFFFFFE0 ss:$0x1], $0xffff;
	[tilespmem:s18+$0x10] =	vst v2  }
0x3a: {  	v60 =	vld.idx.msk [tilespmem:v0+s17+$0xFFFFFFF0 ss:$0x1], $0xffff;
	s31 =	sadd.s32 $0x800, s18;
	[tilespmem:s18+$0x20] =	vst v6  }
0x3b: {  	v61 =	vld.idx.msk [tilespmem:v0+s17+$0x0 ss:$0x1], $0xffff;
	[tilespmem:s31+$0x30] =	vst v56  }
0x3c: {  	v62 =	vld.idx.msk [tilespmem:v0+s17+$0x10 ss:$0x1], $0xffff;
	s16 =	sadd.s32 $0x1, s16;
	[tilespmem:s31+$0xFFFFFFC0] =	vst v57  }
0x3d: {  	v63 =	vld.idx.msk [tilespmem:v0+s17+$0x20 ss:$0x1], $0xffff;
	p1 =	sne.s32 s16, $0x10;
	[tilespmem:s31+$0xFFFFFFD0] =	vst v58  }
.Ltmp4:
0x3e: {  	[tilespmem:s31+$0xFFFFFFE0] =	vst v59;
	(pc) =	sbr.rel @p1 .LBB1_3-.Ltmp4, $4  }
0x3f: {  	[tilespmem:s31+$0xFFFFFFF0] =	vst v60  }
0x40: {  	[tilespmem:s31+$0x0] =	vst v61  }
0x41: {  	[tilespmem:s31+$0x10] =	vst v62  }
0x42: {  	s13 =	sadd.s32 $0x80, s13;
	s15 =	sadd.s32 $0x400, s15;
	[tilespmem:s31+$0x20] =	vst v63  }
.Ltmp5:
0x43: {  	(pc) =	sbr.rel .LBB1_7-.Ltmp5, $4  }
0x44: {  	s12 =	sshll.u32 s12, $0xC;
	s11 =	sshll.u32 s11, $0x4  }
0x45: {  	s11 =	sand.u32 $0x1F0, s11;
	s12 =	sadd.s32 s3, s12  }
0x46: {  	s11 =	sadd.s32 s11, s12  }
0x47: {  	[hbm4b:s11+s6] =	stream.strided.scatter [tilespmem:s14], [sflag:$0x2], $0x4000, s7, s6, $0x38;
	[tilespmem:$0x10000] =	vst v63  }
.LBB1_8:
0x48: {  	_ =	sfence.sel $0x180000  }
0x49: {  	s2 =	simm.s32 $0x1;
	[bflag:$0x0] =	sbarrier.arrive $0xFFFF  }
0x4a: {  	s31 =	simm.s32 $0x2;
	[sflag:s2] =	ssyncpa.u1 $0x1  }
0x4b: {  	[sflag:s31] =	ssyncpa.u1 $0x1  }
0x4c: {  	p0 =	sne.s32 s1, $0x0;
	_ =	strace $0x90000047  }
0x4d: {  	s0 =	sadd.s32 @!p0 $0x100000, s0;
	[bflag:$0x2] =	sbarrier.arrive $0xFFFF  }
0x4e: {  	[sflag:s0] =	ssyncadd.tile.s32 @!p0 $0x1;
	_ =	shalt  }
.Lfunc_end1:
_tile_overlayer_lowered:
.L_overlay_start_2:
0x4f: {  	(tag) =	ssettag $0x2  }
0x50: {  	s0 =	rddreg [dreg:$0x0];
	s2 =	stileid.u32  }
0x51: {  	s1 =	rddreg [dreg:$0x1];
	p0 =	sne.s32 s2, $0x0  }
0x52: {  	s3 =	rddreg [dreg:$0x2];
	[bflag:$0x3] =	sbarrier.arrive $0xFFFF;
	s2 =	simm.s32 @!p0 $0x1C01  }
0x53: {  	[timem:s3], [sflag:s2] =	dma.local @!p0 [hbm:s0], s1  }
0x54: {  	s0 =	simm.s32 @!p0 $0x1  }
0x55: {  	_ =	swait.ge @!p0 [sflag:s0], s1  }
0x56: {  	s1 =	ssub.s32 @!p0 $0x0, s1;
	[sflag:s0] =	ssyncset.done @!p0 $0x0  }
0x57: {  	[sflag:s0] =	ssyncadd.s32 @!p0 s1  }
0x58: {  	[bflag:$0x3] =	sbarrier.arrive $0xFFFF  }
0x59: {  	_ =	shalt  }

</sc_bundles>
